<compile_context>
chip_gen: v7x
topology: tpu7x:2x2x1
jax: 0.10.2.dev20260603
libtpu: 0.0.44.dev20260713+nightly
codegen_flags: <defaults>
</compile_context>

<pallas_src>
import functools

import jax
import jax.numpy as jnp
from jax import lax
from jax.experimental import pallas as pl
from jax.experimental.pallas import tpu as pltpu
from jax.experimental.pallas import tpu_sc as plsc

N = 10000
E = 320000
D = 128

NSLC = 5
S = E // NSLC
NW = 32
EWS = S // NW
CBS = 80
NCBS = EWS // CBS

BES = 3200
BN = 512
NP = 10240
RPT = NP // 16

_mesh = functools.partial(
    plsc.VectorSubcoreMesh, core_axis_name="c", subcore_axis_name="s")


def _make_gather_body(slc):
    def body(x_hbm, src_hbm, out_hbm,
             idx0, idx1, rows0, rows1,
             i_sem0, i_sem1, g_sem0, g_sem1, w_sem0, w_sem1):
        w = lax.axis_index("c") * 16 + lax.axis_index("s")
        base = slc * S + w * EWS
        obase = w * EWS
        bufs = ((idx0, rows0, i_sem0, g_sem0, w_sem0),
                (idx1, rows1, i_sem1, g_sem1, w_sem1))

        def start_idx(i, b):
            idx_v, _, i_sem, _, _ = bufs[b]
            pltpu.async_copy(src_hbm.at[pl.ds(base + i * CBS, CBS)], idx_v, i_sem)

        def drain_idx(i, b):
            idx_v, _, i_sem, _, _ = bufs[b]
            pltpu.make_async_copy(src_hbm.at[pl.ds(base + i * CBS, CBS)], idx_v,
                                  i_sem).wait()

        def fire_gather(b):
            idx_v, rows_v, _, g_sem, _ = bufs[b]
            pltpu.async_copy(x_hbm.at[idx_v], rows_v, g_sem)

        def drain_gather(b):
            idx_v, rows_v, _, g_sem, _ = bufs[b]
            pltpu.make_async_copy(x_hbm.at[idx_v], rows_v, g_sem).wait()

        def fire_write(i, b):
            _, rows_v, _, _, w_sem = bufs[b]
            pltpu.async_copy(rows_v, out_hbm.at[pl.ds(obase + i * CBS, CBS)], w_sem)

        def drain_write(i, b):
            _, rows_v, _, _, w_sem = bufs[b]
            pltpu.make_async_copy(rows_v, out_hbm.at[pl.ds(obase + i * CBS, CBS)],
                                  w_sem).wait()

        def chunk(i, b):
            drain_idx(i, b)
            pl.when(i >= 2)(lambda: drain_write(i - 2, b))
            fire_gather(b)

            def _prev():
                drain_gather(1 - b)
                fire_write(i - 1, 1 - b)
            pl.when(i >= 1)(_prev)
            pl.when(i + 1 < NCBS)(lambda: start_idx(i + 1, 1 - b))

        start_idx(0, 0)

        def pair(g, carry):
            chunk(2 * g, 0)
            chunk(2 * g + 1, 1)
            return carry

        lax.fori_loop(0, (NCBS - 1) // 2, pair, 0)
        chunk(NCBS - 1, 0)
        drain_gather(0)
        fire_write(NCBS - 1, 0)
        drain_write(NCBS - 2, 1)
        drain_write(NCBS - 1, 0)

    return body


def _make_gather(slc):
    @jax.jit
    def gather(x, src):
        k = pl.kernel(
            _make_gather_body(slc),
            out_type=jax.ShapeDtypeStruct((S, D), jnp.float32),
            mesh=_mesh(),
            scratch_types=[
                pltpu.VMEM((CBS,), jnp.int32),
                pltpu.VMEM((CBS,), jnp.int32),
                pltpu.VMEM((CBS, D), jnp.float32),
                pltpu.VMEM((CBS, D), jnp.float32),
                pltpu.SemaphoreType.DMA,
                pltpu.SemaphoreType.DMA,
                pltpu.SemaphoreType.DMA,
                pltpu.SemaphoreType.DMA,
                pltpu.SemaphoreType.DMA,
                pltpu.SemaphoreType.DMA,
            ],
        )
        return k(x, src)
    return gather


_gathers = [_make_gather(k) for k in range(NSLC)]


def _edge_body(xs_ref, eh_ref, eq_ref, wmx_ref, wmh_ref, mx_ref, mh_ref,
               wmsg_ref, e_ref):
    xs = xs_ref[...]
    eh = eh_ref[...]
    eq = eq_ref[...]
    xsb = xs.astype(jnp.bfloat16)
    ehb = eh.astype(jnp.bfloat16)
    eqb = eq.astype(jnp.bfloat16)
    pre = (jnp.dot(xsb, wmx_ref[...], preferred_element_type=jnp.float32)
           + jnp.dot(ehb, wmh_ref[...], preferred_element_type=jnp.float32))
    msg = jnp.where(pre > 0, pre, 0.01 * pre)
    zx = jnp.dot(eqb, mx_ref[...], preferred_element_type=jnp.float32)
    zh = jnp.dot(eqb, mh_ref[...], preferred_element_type=jnp.float32)
    att = jnp.sum(zx * xs + zh * eh, axis=1)
    e = jnp.exp(att)
    wmsg_ref[...] = e[:, None] * msg
    e_ref[...] = e[None, None, :]


def _make_edge_tc(slc):
    off = slc * (S // BES)

    @jax.jit
    def edge_tc(xs, eh, eq, wmxT, wmhT, mx, mh):
        grid = S // BES
        wspec = pl.BlockSpec((D, D), lambda i: (0, 0))
        return pl.pallas_call(
            _edge_body,
            grid=(grid,),
            in_specs=[
                pl.BlockSpec((BES, D), lambda i: (i, 0)),
                pl.BlockSpec((BES, D), lambda i: (i + off, 0)),
                pl.BlockSpec((BES, D), lambda i: (i + off, 0)),
                wspec, wspec, wspec, wspec,
            ],
            out_specs=[
                pl.BlockSpec((BES, D), lambda i: (i, 0)),
                pl.BlockSpec((1, 1, BES), lambda i: (i, 0, 0)),
            ],
            out_shape=[
                jax.ShapeDtypeStruct((S, D), jnp.float32),
                jax.ShapeDtypeStruct((S // BES, 1, BES), jnp.float32),
            ],
        )(xs, eh, eq, wmxT, wmhT, mx, mh)
    return edge_tc


_edge_tcs = [_make_edge_tc(k) for k in range(NSLC)]


def _make_scatter_body(slcs):
    nsrc = len(slcs)

    def body(*args):
        srcs = [(args[2 * k], args[2 * k + 1]) for k in range(nsrc)]
        (zrows_hbm, zden_hbm, dst_hbm, hagg_hbm, den_hbm,
         rows0, rows1, ev0, ev1, idx0, idx1,
         table, den_sp, in_sem0, in_sem1, sc_sem0, sc_sem1) = args[2 * nsrc:]
        c = lax.axis_index("c")
        s = lax.axis_index("s")
        w = c * 16 + s

        pltpu.sync_copy(zrows_hbm.at[pl.ds(s * RPT, RPT)],
                        table.at[pl.ds(s * RPT, RPT)])
        pltpu.sync_copy(zden_hbm.at[pl.ds(s * RPT, RPT)],
                        den_sp.at[pl.ds(s * RPT, RPT)])
        plsc.subcore_barrier()

        bufs = ((rows0, ev0, idx0, in_sem0, sc_sem0),
                (rows1, ev1, idx1, in_sem1, sc_sem1))

        def run_slice(wmsg_hbm, e_hbm, slc):
            base = w * EWS
            dbase = slc * S + w * EWS

            def start_inputs(i, b):
                rows_v, ev_v, idx_v, in_sem, _ = bufs[b]
                off = base + i * CBS
                pltpu.async_copy(wmsg_hbm.at[pl.ds(off, CBS)], rows_v, in_sem)
                pltpu.async_copy(e_hbm.at[pl.ds(off, CBS)], ev_v, in_sem)
                pltpu.async_copy(dst_hbm.at[pl.ds(dbase + i * CBS, CBS)], idx_v,
                                 in_sem)

            def drain_inputs(i, b):
                rows_v, ev_v, idx_v, in_sem, _ = bufs[b]
                off = base + i * CBS
                pltpu.make_async_copy(wmsg_hbm.at[pl.ds(off, CBS)], rows_v,
                                      in_sem).wait()
                pltpu.make_async_copy(e_hbm.at[pl.ds(off, CBS)], ev_v,
                                      in_sem).wait()
                pltpu.make_async_copy(dst_hbm.at[pl.ds(dbase + i * CBS, CBS)],
                                      idx_v, in_sem).wait()

            def fire_scatters(b):
                rows_v, ev_v, idx_v, _, sc_sem = bufs[b]
                pltpu.async_copy(rows_v, table.at[idx_v], sc_sem, add=True)
                pltpu.async_copy(ev_v, den_sp.at[idx_v], sc_sem, add=True)

            def drain_scatters(b):
                rows_v, ev_v, idx_v, _, sc_sem = bufs[b]
                pltpu.make_async_copy(rows_v, table.at[idx_v], sc_sem).wait()
                pltpu.make_async_copy(ev_v, den_sp.at[idx_v], sc_sem).wait()

            start_inputs(0, 0)

            def pair(g, carry):
                i0 = 2 * g
                drain_inputs(i0, 0)
                fire_scatters(0)
                pl.when(i0 > 0)(lambda: drain_scatters(1))
                start_inputs(i0 + 1, 1)

                drain_inputs(i0 + 1, 1)
                fire_scatters(1)
                drain_scatters(0)
                start_inputs(i0 + 2, 0)
                return carry

            lax.fori_loop(0, (NCBS - 1) // 2, pair, 0)
            drain_inputs(NCBS - 1, 0)
            fire_scatters(0)
            drain_scatters(1)
            drain_scatters(0)

        for k, (wmsg_hbm, e_hbm) in enumerate(srcs):
            run_slice(wmsg_hbm, e_hbm, slcs[k])

        plsc.subcore_barrier()
        pltpu.sync_copy(table.at[pl.ds(s * RPT, RPT)],
                        hagg_hbm.at[c, pl.ds(s * RPT, RPT)])
        pltpu.sync_copy(den_sp.at[pl.ds(s * RPT, RPT)],
                        den_hbm.at[c, pl.ds(s * RPT, RPT)])

    return body


def _make_scatter(slcs):
    nsrc = len(slcs)

    @jax.jit
    def scatter(*args):
        dst = args[-1]
        zrows = jnp.zeros((NP, D), jnp.float32)
        zden = jnp.zeros((NP,), jnp.float32)
        k = pl.kernel(
            _make_scatter_body(slcs),
            out_type=[
                jax.ShapeDtypeStruct((2, NP, D), jnp.float32),
                jax.ShapeDtypeStruct((2, NP), jnp.float32),
            ],
            mesh=_mesh(),
            scratch_types=[
                pltpu.VMEM((CBS, D), jnp.float32),
                pltpu.VMEM((CBS, D), jnp.float32),
                pltpu.VMEM((CBS,), jnp.float32),
                pltpu.VMEM((CBS,), jnp.float32),
                pltpu.VMEM((CBS,), jnp.int32),
                pltpu.VMEM((CBS,), jnp.int32),
                pltpu.VMEM_SHARED((NP, D), jnp.float32),
                pltpu.VMEM_SHARED((NP,), jnp.float32),
                pltpu.SemaphoreType.DMA,
                pltpu.SemaphoreType.DMA,
                pltpu.SemaphoreType.DMA,
                pltpu.SemaphoreType.DMA,
            ],
        )
        return k(*args[:-1], zrows, zden, dst)
    return scatter


_scatter_a = _make_scatter((0, 1, 2))
_scatter_b = _make_scatter((3, 4))


def _final_body(ha_ref, da_ref, hb_ref, db_ref, x_ref, g_ref, b_ref, out_ref):
    hs = ha_ref[0] + ha_ref[1] + hb_ref[0] + hb_ref[1]
    dn = da_ref[0] + da_ref[1] + db_ref[0] + db_ref[1]
    dn = jnp.where(dn == 0.0, 1.0, dn)
    h = hs / dn[:, None] + x_ref[...]
    mean = jnp.mean(h, axis=1, keepdims=True)
    cen = h - mean
    var = jnp.mean(cen * cen, axis=1, keepdims=True)
    out_ref[...] = cen * lax.rsqrt(var + 1e-6) * g_ref[...] + b_ref[...]


@jax.jit
def _final(ha, da, hb, db, x, gamma, beta):
    grid = pl.cdiv(N, BN)
    hspec = pl.BlockSpec((2, BN, D), lambda i: (0, i, 0))
    dspec = pl.BlockSpec((2, BN), lambda i: (0, i))
    return pl.pallas_call(
        _final_body,
        grid=(grid,),
        in_specs=[
            hspec, dspec, hspec, dspec,
            pl.BlockSpec((BN, D), lambda i: (i, 0)),
            pl.BlockSpec((1, D), lambda i: (0, 0)),
            pl.BlockSpec((1, D), lambda i: (0, 0)),
        ],
        out_specs=pl.BlockSpec((BN, D), lambda i: (i, 0)),
        out_shape=jax.ShapeDtypeStruct((N, D), jnp.float32),
    )(ha, da, hb, db, x, gamma, beta)


def kernel(x, edge_index, edge_h, edge_qrh, W_msg, W_q, W_k, gamma, beta):
    src = edge_index[0].astype(jnp.int32)
    dst = edge_index[1].astype(jnp.int32)
    temp = jnp.float32(D ** 0.5)

    wmxT = W_msg[:, :D].T.astype(jnp.bfloat16)
    wmhT = W_msg[:, D:].T.astype(jnp.bfloat16)
    m = (W_q.T @ W_k) / temp
    mx = m[:, :D].astype(jnp.bfloat16)
    mh = m[:, D:].astype(jnp.bfloat16)

    wm, ev = [], []
    for k in range(NSLC):
        xs_k = _gathers[k](x, src)
        wm_k, e2d_k = _edge_tcs[k](xs_k, edge_h, edge_qrh, wmxT, wmhT, mx, mh)
        wm.append(wm_k)
        ev.append(e2d_k.reshape(S))
    ha, da = _scatter_a(wm[0], ev[0], wm[1], ev[1], wm[2], ev[2], dst)
    hb, db = _scatter_b(wm[3], ev[3], wm[4], ev[4], dst)
    return _final(ha, da, hb, db, x, gamma.reshape(1, D), beta.reshape(1, D))

# --- scband reference (transcript-rebuilt; emitter-appended) ---
"""Pipeline reference for scband-rtagcnlayer-43473658970772 (READ-ONLY COPY).

The authoritative reference and input builder live on the scoring server;
editing this copy changes nothing except your own understanding.
"""

import jax, jax.numpy as jnp
import numpy as np

N = 10000
E = 320000
D = 128

def _xavier(key, out_f, in_f):
    b = float(np.sqrt(6.0 / (in_f + out_f)))
    return jax.random.uniform(key, (out_f, in_f), jnp.float32, minval=-b, maxval=b)

def setup_inputs(seed: int = 0) -> dict:
    key = jax.random.key(seed)
    ks = jax.random.split(key, 8)
    x = jax.random.normal(ks[0], (N, D), jnp.float32)
    edge_index = jax.random.randint(ks[1], (2, E), 0, N)
    edge_h = jax.random.normal(ks[2], (E, D), jnp.float32)
    edge_qrh = jax.random.normal(ks[3], (E, D), jnp.float32)
    W_msg = _xavier(ks[4], D, 2 * D)
    W_q = _xavier(ks[5], D, D)
    W_k = _xavier(ks[6], D, 2 * D)
    gamma = jnp.ones((D,), jnp.float32)
    beta = jnp.zeros((D,), jnp.float32)
    return {"x": x, "edge_index": edge_index, "edge_h": edge_h, "edge_qrh": edge_qrh,
            "W_msg": W_msg, "W_q": W_q, "W_k": W_k, "gamma": gamma, "beta": beta}

def reference(x, edge_index, edge_h, edge_qrh, W_msg, W_q, W_k, gamma, beta):
    # dropout is identity in eval mode
    src = edge_index[0]
    dst = edge_index[1]
    temp = jnp.asarray(D ** 0.5, jnp.float32)
    cat = jnp.concatenate([x[src], edge_h], axis=-1)           # [E, 2D] gather
    msg = jax.nn.leaky_relu(cat @ W_msg.T, negative_slope=0.01)  # [E, D]
    q = (edge_qrh @ W_q.T) / temp                              # [E, D]
    k = cat @ W_k.T                                            # [E, D]
    att = jnp.sum(q * k, axis=-1)                              # [E]
    # softmax over incoming edges of each dst node (DGL mailbox softmax)
    att_max = jax.ops.segment_max(att, dst, num_segments=N)
    att_max = jnp.where(jnp.isfinite(att_max), att_max, 0.0)
    e = jnp.exp(att - att_max[dst])
    denom = jax.ops.segment_sum(e, dst, num_segments=N)
    alpha = e / denom[dst]
    h_agg = jax.ops.segment_sum(alpha[:, None] * msg, dst, num_segments=N)  # scatter-add
    h = h_agg + x  # residual
    mean = jnp.mean(h, axis=-1, keepdims=True)
    var = jnp.mean((h - mean) ** 2, axis=-1, keepdims=True)
    h = (h - mean) / jnp.sqrt(var + 1e-6) * gamma + beta
    return h

if __name__ == "__main__":
    import jax
    _d = setup_inputs()
    print(jax.jit(kernel)(*tuple(_d.values())))

</pallas_src>

<mosaic_0001>
#map = affine_map<(d0, d1) -> (0, 0)>
#map1 = affine_map<(d0, d1) -> (0)>
module attributes {stable_mosaic.version = 14 : i64} {
  func.func @body(%arg0: i32, %arg1: i32, %arg2: memref<10000x128xf32, #tpu.memory_space<hbm>>, %arg3: memref<320000xi32, #tpu.memory_space<hbm>>, %arg4: memref<64000x128xf32, #tpu.memory_space<hbm>>, %arg5: memref<80xi32, #tpu.memory_space<vmem>>, %arg6: memref<80xi32, #tpu.memory_space<vmem>>, %arg7: memref<80x128xf32, #tpu.memory_space<vmem>>, %arg8: memref<80x128xf32, #tpu.memory_space<vmem>>, %arg9: memref<!tpu.dma_semaphore, #tpu.memory_space<semaphore_mem>>, %arg10: memref<!tpu.dma_semaphore, #tpu.memory_space<semaphore_mem>>, %arg11: memref<!tpu.dma_semaphore, #tpu.memory_space<semaphore_mem>>, %arg12: memref<!tpu.dma_semaphore, #tpu.memory_space<semaphore_mem>>, %arg13: memref<!tpu.dma_semaphore, #tpu.memory_space<semaphore_mem>>, %arg14: memref<!tpu.dma_semaphore, #tpu.memory_space<semaphore_mem>>) attributes {dimension_semantics = [#tpu.dimension_semantics<core_parallel>, #tpu.dimension_semantics<subcore_parallel>], iteration_bounds = array<i64: 2, 16>, scalar_prefetch = 0 : i64, scratch_operands = 10 : i64, tpu.core_type = #tpu.core_type<sc_vector_subcore>, window_params = [{transform_indices = #map}, {transform_indices = #map1}, {transform_indices = #map}]} {
    %mul3A = arith.constant 16 : i32
    %mul3A_0 = arith.muli %arg0, %mul3A : i32
    %add3A = arith.addi %mul3A_0, %arg1 : i32
    %mul3A_1 = arith.constant 2000 : i32
    %mul3A_2 = arith.muli %add3A, %mul3A_1 : i32
    %add3A_3 = arith.constant 0 : i32
    %add3A_4 = arith.addi %add3A_3, %mul3A_2 : i32
    %mul3A_5 = arith.constant 2000 : i32
    %mul3A_6 = arith.muli %add3A, %mul3A_5 : i32
    %add3A_7 = arith.constant 0 : i32
    %add3A_8 = arith.addi %add3A_4, %add3A_7 : i32
    %dma_start3A = tpu.memref_slice %arg3[%add3A_8] : memref<320000xi32, #tpu.memory_space<hbm>> -> memref<80xi32, #tpu.memory_space<hbm>>
    %dma_start3A_9 = tpu.memref_slice %arg3[%add3A_8] : memref<320000xi32, #tpu.memory_space<hbm>> -> memref<80xi32, #tpu.memory_space<hbm>>
    tpu.enqueue_dma source(%dma_start3A_9 : memref<80xi32, #tpu.memory_space<hbm>>) target(%arg5 : memref<80xi32, #tpu.memory_space<vmem>>) target_semaphore(%arg9 : memref<!tpu.dma_semaphore, #tpu.memory_space<semaphore_mem>>)
    %scan3A = arith.constant 0 : i32
    %scan3A_10 = arith.constant 0 : i32
    %scan3A_11 = arith.constant 12 : i32
    %scan3A_12 = arith.addi %scan3A_10, %scan3A_11 : i32
    %scan3A_13 = arith.constant 1 : i32
    scf.for %scan3A_57 = %scan3A_10 to %scan3A_12 step %scan3A_13  : i32 {
      %mul3A_58 = arith.constant 2 : i32
      %mul3A_59 = arith.muli %mul3A_58, %scan3A_57 : i32
      %mul3A_60 = arith.constant 80 : i32
      %mul3A_61 = arith.muli %mul3A_59, %mul3A_60 : i32
      %add3A_62 = arith.addi %add3A_4, %mul3A_61 : i32
      %dma_wait3A_63 = tpu.memref_slice %arg3[%add3A_62] : memref<320000xi32, #tpu.memory_space<hbm>> -> memref<80xi32, #tpu.memory_space<hbm>>
      %dma_wait3A_64 = tpu.memref_slice %arg3[%add3A_62] : memref<320000xi32, #tpu.memory_space<hbm>> -> memref<80xi32, #tpu.memory_space<hbm>>
      tpu.wait_dma2 semaphore(%arg9 : memref<!tpu.dma_semaphore, #tpu.memory_space<semaphore_mem>>) src(%dma_wait3A_64 : memref<80xi32, #tpu.memory_space<hbm>>) dst(%arg5 : memref<80xi32, #tpu.memory_space<vmem>>)
      %ge3A = arith.constant 2 : i32
      %ge3A_65 = arith.cmpi sge, %mul3A_59, %ge3A : i32
      %convert_element_type3A = arith.extui %ge3A_65 : i1 to i32
      %cond3A = arith.constant 0 : i32
      %cond3A_66 = arith.cmpi ne, %convert_element_type3A, %cond3A : i32
      scf.if %cond3A_66 {
        %sub3A = arith.constant 2 : i32
        %sub3A_110 = arith.subi %mul3A_59, %sub3A : i32
        %mul3A_111 = arith.constant 80 : i32
        %mul3A_112 = arith.muli %sub3A_110, %mul3A_111 : i32
        %add3A_113 = arith.addi %mul3A_6, %mul3A_112 : i32
        %dma_wait3A_114 = arith.constant 0 : i32
        %dma_wait3A_115 = tpu.memref_slice %arg4[%add3A_113, %dma_wait3A_114] : memref<64000x128xf32, #tpu.memory_space<hbm>> -> memref<80x128xf32, #tpu.memory_space<hbm>>
        %dma_wait3A_116 = arith.constant 0 : i32
        %dma_wait3A_117 = tpu.memref_slice %arg4[%add3A_113, %dma_wait3A_116] : memref<64000x128xf32, #tpu.memory_space<hbm>> -> memref<80x128xf32, #tpu.memory_space<hbm>>
        tpu.wait_dma2 semaphore(%arg13 : memref<!tpu.dma_semaphore, #tpu.memory_space<semaphore_mem>>) src(%arg7 : memref<80x128xf32, #tpu.memory_space<vmem>>) dst(%dma_wait3A_117 : memref<80x128xf32, #tpu.memory_space<hbm>>)
      } else {
      }
      %dma_start3A_67 = arith.constant 0 : i32
      %dma_start3A_68 = arith.constant 0 : i32
      %dma_start3A_69 = tpu.memref_slice %arg2[%dma_start3A_67, %dma_start3A_68] : memref<10000x128xf32, #tpu.memory_space<hbm>> -> memref<10000x128xf32, #tpu.memory_space<hbm>>
      tpu.enqueue_indirect_dma source(%dma_start3A_69 : memref<10000x128xf32, #tpu.memory_space<hbm>>) target(%arg7 : memref<80x128xf32, #tpu.memory_space<vmem>>) offsets(%arg5 : memref<80xi32, #tpu.memory_space<vmem>>) semaphore(%arg11 : memref<!tpu.dma_semaphore, #tpu.memory_space<semaphore_mem>>)
      %ge3A_70 = arith.constant 1 : i32
      %ge3A_71 = arith.cmpi sge, %mul3A_59, %ge3A_70 : i32
      %convert_element_type3A_72 = arith.extui %ge3A_71 : i1 to i32
      %cond3A_73 = arith.constant 0 : i32
      %cond3A_74 = arith.cmpi ne, %convert_element_type3A_72, %cond3A_73 : i32
      scf.if %cond3A_74 {
        %dma_wait3A_110 = arith.constant 0 : i32
        %dma_wait3A_111 = arith.constant 0 : i32
        %dma_wait3A_112 = tpu.memref_slice %arg2[%dma_wait3A_110, %dma_wait3A_111] : memref<10000x128xf32, #tpu.memory_space<hbm>> -> memref<10000x128xf32, #tpu.memory_space<hbm>>
        tpu.wait_indirect_dma semaphore(%arg12 : memref<!tpu.dma_semaphore, #tpu.memory_space<semaphore_mem>>) src(%dma_wait3A_112 : memref<10000x128xf32, #tpu.memory_space<hbm>>) dst(%arg8 : memref<80x128xf32, #tpu.memory_space<vmem>>)
        %sub3A = arith.constant 1 : i32
        %sub3A_113 = arith.subi %mul3A_59, %sub3A : i32
        %mul3A_114 = arith.constant 80 : i32
        %mul3A_115 = arith.muli %sub3A_113, %mul3A_114 : i32
        %add3A_116 = arith.addi %mul3A_6, %mul3A_115 : i32
        %dma_start3A_117 = arith.constant 0 : i32
        %dma_start3A_118 = tpu.memref_slice %arg4[%add3A_116, %dma_start3A_117] : memref<64000x128xf32, #tpu.memory_space<hbm>> -> memref<80x128xf32, #tpu.memory_space<hbm>>
        %dma_start3A_119 = arith.constant 0 : i32
        %dma_start3A_120 = tpu.memref_slice %arg4[%add3A_116, %dma_start3A_119] : memref<64000x128xf32, #tpu.memory_space<hbm>> -> memref<80x128xf32, #tpu.memory_space<hbm>>
        tpu.enqueue_dma source(%arg8 : memref<80x128xf32, #tpu.memory_space<vmem>>) target(%dma_start3A_120 : memref<80x128xf32, #tpu.memory_space<hbm>>) target_semaphore(%arg14 : memref<!tpu.dma_semaphore, #tpu.memory_space<semaphore_mem>>)
      } else {
      }
      %add3A_75 = arith.constant 1 : i32
      %add3A_76 = arith.addi %mul3A_59, %add3A_75 : i32
      %lt3A = arith.constant 25 : i32
      %lt3A_77 = arith.cmpi slt, %add3A_76, %lt3A : i32
      %convert_element_type3A_78 = arith.extui %lt3A_77 : i1 to i32
      %cond3A_79 = arith.constant 0 : i32
      %cond3A_80 = arith.cmpi ne, %convert_element_type3A_78, %cond3A_79 : i32
      scf.if %cond3A_80 {
        %add3A_110 = arith.constant 1 : i32
        %add3A_111 = arith.addi %mul3A_59, %add3A_110 : i32
        %mul3A_112 = arith.constant 80 : i32
        %mul3A_113 = arith.muli %add3A_111, %mul3A_112 : i32
        %add3A_114 = arith.addi %add3A_4, %mul3A_113 : i32
        %dma_start3A_115 = tpu.memref_slice %arg3[%add3A_114] : memref<320000xi32, #tpu.memory_space<hbm>> -> memref<80xi32, #tpu.memory_space<hbm>>
        %dma_start3A_116 = tpu.memref_slice %arg3[%add3A_114] : memref<320000xi32, #tpu.memory_space<hbm>> -> memref<80xi32, #tpu.memory_space<hbm>>
        tpu.enqueue_dma source(%dma_start3A_116 : memref<80xi32, #tpu.memory_space<hbm>>) target(%arg6 : memref<80xi32, #tpu.memory_space<vmem>>) target_semaphore(%arg10 : memref<!tpu.dma_semaphore, #tpu.memory_space<semaphore_mem>>)
      } else {
      }
      %mul3A_81 = arith.constant 2 : i32
      %mul3A_82 = arith.muli %mul3A_81, %scan3A_57 : i32
      %add3A_83 = arith.constant 1 : i32
      %add3A_84 = arith.addi %mul3A_82, %add3A_83 : i32
      %mul3A_85 = arith.constant 80 : i32
      %mul3A_86 = arith.muli %add3A_84, %mul3A_85 : i32
      %add3A_87 = arith.addi %add3A_4, %mul3A_86 : i32
      %dma_wait3A_88 = tpu.memref_slice %arg3[%add3A_87] : memref<320000xi32, #tpu.memory_space<hbm>> -> memref<80xi32, #tpu.memory_space<hbm>>
      %dma_wait3A_89 = tpu.memref_slice %arg3[%add3A_87] : memref<320000xi32, #tpu.memory_space<hbm>> -> memref<80xi32, #tpu.memory_space<hbm>>
      tpu.wait_dma2 semaphore(%arg10 : memref<!tpu.dma_semaphore, #tpu.memory_space<semaphore_mem>>) src(%dma_wait3A_89 : memref<80xi32, #tpu.memory_space<hbm>>) dst(%arg6 : memref<80xi32, #tpu.memory_space<vmem>>)
      %ge3A_90 = arith.constant 2 : i32
      %ge3A_91 = arith.cmpi sge, %add3A_84, %ge3A_90 : i32
      %convert_element_type3A_92 = arith.extui %ge3A_91 : i1 to i32
      %cond3A_93 = arith.constant 0 : i32
      %cond3A_94 = arith.cmpi ne, %convert_element_type3A_92, %cond3A_93 : i32
      scf.if %cond3A_94 {
        %sub3A = arith.constant 2 : i32
        %sub3A_110 = arith.subi %add3A_84, %sub3A : i32
        %mul3A_111 = arith.constant 80 : i32
        %mul3A_112 = arith.muli %sub3A_110, %mul3A_111 : i32
        %add3A_113 = arith.addi %mul3A_6, %mul3A_112 : i32
        %dma_wait3A_114 = arith.constant 0 : i32
        %dma_wait3A_115 = tpu.memref_slice %arg4[%add3A_113, %dma_wait3A_114] : memref<64000x128xf32, #tpu.memory_space<hbm>> -> memref<80x128xf32, #tpu.memory_space<hbm>>
        %dma_wait3A_116 = arith.constant 0 : i32
        %dma_wait3A_117 = tpu.memref_slice %arg4[%add3A_113, %dma_wait3A_116] : memref<64000x128xf32, #tpu.memory_space<hbm>> -> memref<80x128xf32, #tpu.memory_space<hbm>>
        tpu.wait_dma2 semaphore(%arg14 : memref<!tpu.dma_semaphore, #tpu.memory_space<semaphore_mem>>) src(%arg8 : memref<80x128xf32, #tpu.memory_space<vmem>>) dst(%dma_wait3A_117 : memref<80x128xf32, #tpu.memory_space<hbm>>)
      } else {
      }
      %dma_start3A_95 = arith.constant 0 : i32
      %dma_start3A_96 = arith.constant 0 : i32
      %dma_start3A_97 = tpu.memref_slice %arg2[%dma_start3A_95, %dma_start3A_96] : memref<10000x128xf32, #tpu.memory_space<hbm>> -> memref<10000x128xf32, #tpu.memory_space<hbm>>
      tpu.enqueue_indirect_dma source(%dma_start3A_97 : memref<10000x128xf32, #tpu.memory_space<hbm>>) target(%arg8 : memref<80x128xf32, #tpu.memory_space<vmem>>) offsets(%arg6 : memref<80xi32, #tpu.memory_space<vmem>>) semaphore(%arg12 : memref<!tpu.dma_semaphore, #tpu.memory_space<semaphore_mem>>)
      %ge3A_98 = arith.constant 1 : i32
      %ge3A_99 = arith.cmpi sge, %add3A_84, %ge3A_98 : i32
      %convert_element_type3A_100 = arith.extui %ge3A_99 : i1 to i32
      %cond3A_101 = arith.constant 0 : i32
      %cond3A_102 = arith.cmpi ne, %convert_element_type3A_100, %cond3A_101 : i32
      scf.if %cond3A_102 {
        %dma_wait3A_110 = arith.constant 0 : i32
        %dma_wait3A_111 = arith.constant 0 : i32
        %dma_wait3A_112 = tpu.memref_slice %arg2[%dma_wait3A_110, %dma_wait3A_111] : memref<10000x128xf32, #tpu.memory_space<hbm>> -> memref<10000x128xf32, #tpu.memory_space<hbm>>
        tpu.wait_indirect_dma semaphore(%arg11 : memref<!tpu.dma_semaphore, #tpu.memory_space<semaphore_mem>>) src(%dma_wait3A_112 : memref<10000x128xf32, #tpu.memory_space<hbm>>) dst(%arg7 : memref<80x128xf32, #tpu.memory_space<vmem>>)
        %sub3A = arith.constant 1 : i32
        %sub3A_113 = arith.subi %add3A_84, %sub3A : i32
        %mul3A_114 = arith.constant 80 : i32
        %mul3A_115 = arith.muli %sub3A_113, %mul3A_114 : i32
        %add3A_116 = arith.addi %mul3A_6, %mul3A_115 : i32
        %dma_start3A_117 = arith.constant 0 : i32
        %dma_start3A_118 = tpu.memref_slice %arg4[%add3A_116, %dma_start3A_117] : memref<64000x128xf32, #tpu.memory_space<hbm>> -> memref<80x128xf32, #tpu.memory_space<hbm>>
        %dma_start3A_119 = arith.constant 0 : i32
        %dma_start3A_120 = tpu.memref_slice %arg4[%add3A_116, %dma_start3A_119] : memref<64000x128xf32, #tpu.memory_space<hbm>> -> memref<80x128xf32, #tpu.memory_space<hbm>>
        tpu.enqueue_dma source(%arg7 : memref<80x128xf32, #tpu.memory_space<vmem>>) target(%dma_start3A_120 : memref<80x128xf32, #tpu.memory_space<hbm>>) target_semaphore(%arg13 : memref<!tpu.dma_semaphore, #tpu.memory_space<semaphore_mem>>)
      } else {
      }
      %add3A_103 = arith.constant 1 : i32
      %add3A_104 = arith.addi %add3A_84, %add3A_103 : i32
      %lt3A_105 = arith.constant 25 : i32
      %lt3A_106 = arith.cmpi slt, %add3A_104, %lt3A_105 : i32
      %convert_element_type3A_107 = arith.extui %lt3A_106 : i1 to i32
      %cond3A_108 = arith.constant 0 : i32
      %cond3A_109 = arith.cmpi ne, %convert_element_type3A_107, %cond3A_108 : i32
      scf.if %cond3A_109 {
        %add3A_110 = arith.constant 1 : i32
        %add3A_111 = arith.addi %add3A_84, %add3A_110 : i32
        %mul3A_112 = arith.constant 80 : i32
        %mul3A_113 = arith.muli %add3A_111, %mul3A_112 : i32
        %add3A_114 = arith.addi %add3A_4, %mul3A_113 : i32
        %dma_start3A_115 = tpu.memref_slice %arg3[%add3A_114] : memref<320000xi32, #tpu.memory_space<hbm>> -> memref<80xi32, #tpu.memory_space<hbm>>
        %dma_start3A_116 = tpu.memref_slice %arg3[%add3A_114] : memref<320000xi32, #tpu.memory_space<hbm>> -> memref<80xi32, #tpu.memory_space<hbm>>
        tpu.enqueue_dma source(%dma_start3A_116 : memref<80xi32, #tpu.memory_space<hbm>>) target(%arg5 : memref<80xi32, #tpu.memory_space<vmem>>) target_semaphore(%arg9 : memref<!tpu.dma_semaphore, #tpu.memory_space<semaphore_mem>>)
      } else {
      }
    }
    %scan3A_14 = arith.constant 12 : i32
    %add3A_15 = arith.constant 1920 : i32
    %add3A_16 = arith.addi %add3A_4, %add3A_15 : i32
    %dma_wait3A = tpu.memref_slice %arg3[%add3A_16] : memref<320000xi32, #tpu.memory_space<hbm>> -> memref<80xi32, #tpu.memory_space<hbm>>
    %dma_wait3A_17 = tpu.memref_slice %arg3[%add3A_16] : memref<320000xi32, #tpu.memory_space<hbm>> -> memref<80xi32, #tpu.memory_space<hbm>>
    tpu.wait_dma2 semaphore(%arg9 : memref<!tpu.dma_semaphore, #tpu.memory_space<semaphore_mem>>) src(%dma_wait3A_17 : memref<80xi32, #tpu.memory_space<hbm>>) dst(%arg5 : memref<80xi32, #tpu.memory_space<vmem>>)
    %add3A_18 = arith.constant 1760 : i32
    %add3A_19 = arith.addi %mul3A_6, %add3A_18 : i32
    %dma_wait3A_20 = arith.constant 0 : i32
    %dma_wait3A_21 = tpu.memref_slice %arg4[%add3A_19, %dma_wait3A_20] : memref<64000x128xf32, #tpu.memory_space<hbm>> -> memref<80x128xf32, #tpu.memory_space<hbm>>
    %dma_wait3A_22 = arith.constant 0 : i32
    %dma_wait3A_23 = tpu.memref_slice %arg4[%add3A_19, %dma_wait3A_22] : memref<64000x128xf32, #tpu.memory_space<hbm>> -> memref<80x128xf32, #tpu.memory_space<hbm>>
    tpu.wait_dma2 semaphore(%arg13 : memref<!tpu.dma_semaphore, #tpu.memory_space<semaphore_mem>>) src(%arg7 : memref<80x128xf32, #tpu.memory_space<vmem>>) dst(%dma_wait3A_23 : memref<80x128xf32, #tpu.memory_space<hbm>>)
    %dma_start3A_24 = arith.constant 0 : i32
    %dma_start3A_25 = arith.constant 0 : i32
    %dma_start3A_26 = tpu.memref_slice %arg2[%dma_start3A_24, %dma_start3A_25] : memref<10000x128xf32, #tpu.memory_space<hbm>> -> memref<10000x128xf32, #tpu.memory_space<hbm>>
    tpu.enqueue_indirect_dma source(%dma_start3A_26 : memref<10000x128xf32, #tpu.memory_space<hbm>>) target(%arg7 : memref<80x128xf32, #tpu.memory_space<vmem>>) offsets(%arg5 : memref<80xi32, #tpu.memory_space<vmem>>) semaphore(%arg11 : memref<!tpu.dma_semaphore, #tpu.memory_space<semaphore_mem>>)
    %dma_wait3A_27 = arith.constant 0 : i32
    %dma_wait3A_28 = arith.constant 0 : i32
    %dma_wait3A_29 = tpu.memref_slice %arg2[%dma_wait3A_27, %dma_wait3A_28] : memref<10000x128xf32, #tpu.memory_space<hbm>> -> memref<10000x128xf32, #tpu.memory_space<hbm>>
    tpu.wait_indirect_dma semaphore(%arg12 : memref<!tpu.dma_semaphore, #tpu.memory_space<semaphore_mem>>) src(%dma_wait3A_29 : memref<10000x128xf32, #tpu.memory_space<hbm>>) dst(%arg8 : memref<80x128xf32, #tpu.memory_space<vmem>>)
    %add3A_30 = arith.constant 1840 : i32
    %add3A_31 = arith.addi %mul3A_6, %add3A_30 : i32
    %dma_start3A_32 = arith.constant 0 : i32
    %dma_start3A_33 = tpu.memref_slice %arg4[%add3A_31, %dma_start3A_32] : memref<64000x128xf32, #tpu.memory_space<hbm>> -> memref<80x128xf32, #tpu.memory_space<hbm>>
    %dma_start3A_34 = arith.constant 0 : i32
    %dma_start3A_35 = tpu.memref_slice %arg4[%add3A_31, %dma_start3A_34] : memref<64000x128xf32, #tpu.memory_space<hbm>> -> memref<80x128xf32, #tpu.memory_space<hbm>>
    tpu.enqueue_dma source(%arg8 : memref<80x128xf32, #tpu.memory_space<vmem>>) target(%dma_start3A_35 : memref<80x128xf32, #tpu.memory_space<hbm>>) target_semaphore(%arg14 : memref<!tpu.dma_semaphore, #tpu.memory_space<semaphore_mem>>)
    %dma_wait3A_36 = arith.constant 0 : i32
    %dma_wait3A_37 = arith.constant 0 : i32
    %dma_wait3A_38 = tpu.memref_slice %arg2[%dma_wait3A_36, %dma_wait3A_37] : memref<10000x128xf32, #tpu.memory_space<hbm>> -> memref<10000x128xf32, #tpu.memory_space<hbm>>
    tpu.wait_indirect_dma semaphore(%arg11 : memref<!tpu.dma_semaphore, #tpu.memory_space<semaphore_mem>>) src(%dma_wait3A_38 : memref<10000x128xf32, #tpu.memory_space<hbm>>) dst(%arg7 : memref<80x128xf32, #tpu.memory_space<vmem>>)
    %add3A_39 = arith.constant 1920 : i32
    %add3A_40 = arith.addi %mul3A_6, %add3A_39 : i32
    %dma_start3A_41 = arith.constant 0 : i32
    %dma_start3A_42 = tpu.memref_slice %arg4[%add3A_40, %dma_start3A_41] : memref<64000x128xf32, #tpu.memory_space<hbm>> -> memref<80x128xf32, #tpu.memory_space<hbm>>
    %dma_start3A_43 = arith.constant 0 : i32
    %dma_start3A_44 = tpu.memref_slice %arg4[%add3A_40, %dma_start3A_43] : memref<64000x128xf32, #tpu.memory_space<hbm>> -> memref<80x128xf32, #tpu.memory_space<hbm>>
    tpu.enqueue_dma source(%arg7 : memref<80x128xf32, #tpu.memory_space<vmem>>) target(%dma_start3A_44 : memref<80x128xf32, #tpu.memory_space<hbm>>) target_semaphore(%arg13 : memref<!tpu.dma_semaphore, #tpu.memory_space<semaphore_mem>>)
    %add3A_45 = arith.constant 1840 : i32
    %add3A_46 = arith.addi %mul3A_6, %add3A_45 : i32
    %dma_wait3A_47 = arith.constant 0 : i32
    %dma_wait3A_48 = tpu.memref_slice %arg4[%add3A_46, %dma_wait3A_47] : memref<64000x128xf32, #tpu.memory_space<hbm>> -> memref<80x128xf32, #tpu.memory_space<hbm>>
    %dma_wait3A_49 = arith.constant 0 : i32
    %dma_wait3A_50 = tpu.memref_slice %arg4[%add3A_46, %dma_wait3A_49] : memref<64000x128xf32, #tpu.memory_space<hbm>> -> memref<80x128xf32, #tpu.memory_space<hbm>>
    tpu.wait_dma2 semaphore(%arg14 : memref<!tpu.dma_semaphore, #tpu.memory_space<semaphore_mem>>) src(%arg8 : memref<80x128xf32, #tpu.memory_space<vmem>>) dst(%dma_wait3A_50 : memref<80x128xf32, #tpu.memory_space<hbm>>)
    %add3A_51 = arith.constant 1920 : i32
    %add3A_52 = arith.addi %mul3A_6, %add3A_51 : i32
    %dma_wait3A_53 = arith.constant 0 : i32
    %dma_wait3A_54 = tpu.memref_slice %arg4[%add3A_52, %dma_wait3A_53] : memref<64000x128xf32, #tpu.memory_space<hbm>> -> memref<80x128xf32, #tpu.memory_space<hbm>>
    %dma_wait3A_55 = arith.constant 0 : i32
    %dma_wait3A_56 = tpu.memref_slice %arg4[%add3A_52, %dma_wait3A_55] : memref<64000x128xf32, #tpu.memory_space<hbm>> -> memref<80x128xf32, #tpu.memory_space<hbm>>
    tpu.wait_dma2 semaphore(%arg13 : memref<!tpu.dma_semaphore, #tpu.memory_space<semaphore_mem>>) src(%arg7 : memref<80x128xf32, #tpu.memory_space<vmem>>) dst(%dma_wait3A_56 : memref<80x128xf32, #tpu.memory_space<hbm>>)
    return
  }
}

</mosaic_0001>

<sc_bundles>
// kernel: gather.3.cloned.1.call-start
scs
__scs_entry_jumppad:
0x0: {  	(pc) =	sbr.rel $0x88, $3  }
0x1: {  	(tag) =	ssettag $0x0;
	lr =	simm.s32 $0x1  }
0x2: {  	[smem:$0x3F9F] =	sst lr;
	_ =	strace $0xD0000000  }
0x3: {  	_ = 	snop  }
0x4: {  	_ = 	snop  }
0x5: {  	_ = 	snop  }
0x6: {  	_ = 	snop  }
0x7: {  	_ = 	snop  }
__scs_overlays_trampoline_lowered:
0x8: {  	[smem:$0x3FAE] =	sst s0  }
0x9: {  	[smem:$0x3FAF] =	sst s1  }
0xa: {  	[smem:$0x3FB0] =	sst s2  }
0xb: {  	[smem:$0x3FB1] =	sst s3  }
0xc: {  	[smem:$0x3FB2] =	sst s4  }
0xd: {  	[smem:$0x3FB3] =	sst s5  }
0xe: {  	[smem:$0x3FB4] =	sst s6  }
0xf: {  	[smem:$0x3FB5] =	sst s7  }
0x10: {  	[smem:$0x3FB6] =	sst s8  }
0x11: {  	[smem:$0x3FB7] =	sst s9;
	s0 =	simm.s32 @!p0 $0x0  }
0x12: {  	s1 =	sld [smem:$0x3F9D];
	s0 =	simm.s32 @p0 $0x1  }
0x13: {  	[smem:$0x3FB8] =	sst s0;
	s0 =	simm.s32 @!p1 $0x0  }
0x14: {  	s2 =	sld [smem:$0x3F9C];
	s0 =	simm.s32 @p1 $0x1  }
0x15: {  	[smem:$0x3FB9] =	sst s0;
	s0 =	simm.s32 @!p2 $0x0  }
0x16: {  	s3 =	sld [smem:$0x3FDB];
	s0 =	simm.s32 @p2 $0x1  }
0x17: {  	s4 =	simm.s32 $0x1BF5;
	[smem:$0x3FBB] =	sst s0  }
0x18: {  	s0 =	sld [smem:$0x3F9E];
	_ =	swait.ge [sflag:s4], $0x0  }
0x19: {  	s7 =	sld [smem:$0x3F9F]  }
0x1a: {  	s8 =	sadd.s32 $0xFFFFE003, lr  }
0x1b: {  	s9 =	sadd.s32 $0xFFFFFEF7, lr;
	s5 =	simm.s32 $0xFFFFFFFF;
	p2 =	slt.u32 s8, $0xFFFFF086  }
0x1c: {  	p1 =	slt.u32 s9, $0xF7A;
	s5 =	simm.s32 @!p2 $0x0  }
0x1d: {  	s5 =	simm.s32 @p1 $0x1;
	p0 =	seq.s32 s7, s2  }
0x1e: {  	s7 =	smul.u32 @!p0 $0xF7A, s2;
	p2 =	seq.s32 @!p0 s5, $0x0  }
0x1f: {  	s9 =	smul.u32 $0xF7A, s1;
	s8 =	simm.s32 @!p0 $0x1BF5;
	p2 =	por !p2, p0  }
0x20: {  	[sflag:s8] =	ssyncset.s32 @!p0 $0xFFFFF086;
	s6 =	sadd.s32 @!p0 s3, s7;
	s7 =	simm.s32 @!p0 $0x108  }
0x21: {  	s3 =	sadd.s32 s3, s9;
	s6 =	sadd.s32 @!p0 $0x88, s6;
	s7 =	simm.s32 @p2 $0x1082  }
0x22: {  	[simem:s7], [sflag:s8] =	dma.local @!p0 [hbm:s6], $0xF7A  }
0x23: {  	s9 =	sor.u32 $0xD0000000, s2;
	s6 =	simm.s32 $0x108;
	_ =	swait.ge @!p0 [sflag:s8], $0x0  }
0x24: {  	s3 =	sadd.s32 $0x88, s3;
	s6 =	simm.s32 @!p1 $0x1082;
	[sflag:s4] =	ssyncset.s32 $0xFFFFF086  }
0x25: {  	[simem:s6], [sflag:s4] =	dma.local [hbm:s3], $0xF7A  }
0x26: {  	[smem:$0x3F9F] =	sst s1;
	(tag) =	ssettag s2;
	_ =	strace s9  }
0x27: {  	s1 =	sld [smem:$0x3FAF]  }
0x28: {  	s2 =	sld [smem:$0x3FB0]  }
0x29: {  	s4 =	sld [smem:$0x3FB2]  }
0x2a: {  	p0 =	seq.s32 s5, $0x0;
	s5 =	sld [smem:$0x3FB3]  }
0x2b: {  	s6 =	sld [smem:$0x3FB4]  }
0x2c: {  	s7 =	sld [smem:$0x3FB5]  }
0x2d: {  	s3 =	simm.s32 $0x108;
	s8 =	sld [smem:$0x3FB6]  }
0x2e: {  	s3 =	simm.s32 @!p0 $0x1082;
	s9 =	sld [smem:$0x3FB7]  }
0x2f: {  	lr =	sadd.s32 s0, s3;
	s0 =	sld [smem:$0x3FAE]  }
0x30: {  	s3 =	sld [smem:$0x3FB1]  }
0x31: {  	[smem:$0x3FBA] =	sst s10  }
0x32: {  	s10 =	sld [smem:$0x3FB8];
	_ =	sdelay $0x3  }
0x33: {  	p0 =	seq.s32 s10, $0x1;
	s10 =	sld [smem:$0x3FBA];
	_ =	sdelay $0x3  }
0x34: {  	[smem:$0x3FBA] =	sst s10  }
0x35: {  	s10 =	sld [smem:$0x3FB9];
	_ =	sdelay $0x3  }
0x36: {  	p1 =	seq.s32 s10, $0x1;
	s10 =	sld [smem:$0x3FBA];
	_ =	sdelay $0x3  }
0x37: {  	[smem:$0x3FBA] =	sst s10  }
0x38: {  	s10 =	sld [smem:$0x3FBB]  }
0x39: {  	_ = 	snop;
	(pc) =	sbr.ind lr, $3  }
0x3a: {  	_ = 	snop  }
0x3b: {  	_ = 	snop  }
0x3c: {  	p2 =	seq.s32 s10, $0x1;
	s10 =	sld [smem:$0x3FBA]  }
0x3d: {  	_ =	shalt  }
0x3e: {  	_ =	shalt  }
0x3f: {  	_ =	shalt  }
0x40: {  	_ =	shalt  }
0x41: {  	_ =	shalt  }
0x42: {  	_ =	shalt  }
0x43: {  	_ =	shalt  }
0x44: {  	_ =	shalt  }
0x45: {  	_ =	shalt  }
0x46: {  	_ =	shalt  }
0x47: {  	_ =	shalt  }
0x48: {  	_ =	shalt  }
0x49: {  	_ =	shalt  }
0x4a: {  	_ =	shalt  }
0x4b: {  	_ =	shalt  }
0x4c: {  	_ =	shalt  }
0x4d: {  	_ =	shalt  }
0x4e: {  	_ =	shalt  }
0x4f: {  	_ =	shalt  }
0x50: {  	_ =	shalt  }
0x51: {  	_ =	shalt  }
0x52: {  	_ =	shalt  }
0x53: {  	_ =	shalt  }
0x54: {  	_ =	shalt  }
0x55: {  	_ =	shalt  }
0x56: {  	_ =	shalt  }
0x57: {  	_ =	shalt  }
0x58: {  	_ =	shalt  }
0x59: {  	_ =	shalt  }
0x5a: {  	_ =	shalt  }
0x5b: {  	_ =	shalt  }
0x5c: {  	_ =	shalt  }
0x5d: {  	_ =	shalt  }
0x5e: {  	_ =	shalt  }
0x5f: {  	_ =	shalt  }
0x60: {  	_ =	shalt  }
0x61: {  	_ =	shalt  }
0x62: {  	_ =	shalt  }
0x63: {  	_ =	shalt  }
0x64: {  	_ =	shalt  }
0x65: {  	_ =	shalt  }
0x66: {  	_ =	shalt  }
0x67: {  	_ =	shalt  }
0x68: {  	_ =	shalt  }
0x69: {  	_ =	shalt  }
0x6a: {  	_ =	shalt  }
0x6b: {  	_ =	shalt  }
0x6c: {  	_ =	shalt  }
0x6d: {  	_ =	shalt  }
0x6e: {  	_ =	shalt  }
0x6f: {  	_ =	shalt  }
0x70: {  	_ =	shalt  }
0x71: {  	_ =	shalt  }
0x72: {  	_ =	shalt  }
0x73: {  	_ =	shalt  }
0x74: {  	_ =	shalt  }
0x75: {  	_ =	shalt  }
0x76: {  	_ =	shalt  }
0x77: {  	_ =	shalt  }
0x78: {  	_ =	shalt  }
0x79: {  	_ =	shalt  }
0x7a: {  	_ =	shalt  }
0x7b: {  	_ =	shalt  }
0x7c: {  	_ =	shalt  }
0x7d: {  	_ =	shalt  }
0x7e: {  	_ =	shalt  }
0x7f: {  	_ =	shalt  }
0x80: {  	_ =	shalt  }
0x81: {  	_ =	shalt  }
0x82: {  	_ =	shalt  }
0x83: {  	_ =	shalt  }
0x84: {  	_ =	shalt  }
0x85: {  	_ =	shalt  }
0x86: {  	_ =	shalt  }
0x87: {  	_ =	shalt  }
.Lfunc_end0:
.L_simem_size_0:
called_computation_lowered:
.L_overlay_start_0:
0x88: {  	s2 =	sld [smem:$0x3FD9]  }
0x89: {  	s3 =	sld [smem:$0x3FFE];
	_ =	sdelay $0x1  }
0x8a: {  	s1 =	srdreg.scid  }
0x8b: {  	s0 =	sand.u32 $0x1, s1  }
0x8c: {  	s18 =	sshll.u32 s0, $0xA;
	s2 =	sadd.s32 s3, s2  }
0x8d: {  	s2 =	sadd.s32 s2, s18  }
0x8e: {  	[smem:$0x3FC6] =	sst s2  }
0x8f: {  	_ = 	snop  }
0x90: {  	s2 =	sld [smem:$0x3FC9]  }
0x91: {  	s19 =	sld [smem:$0x3FC8]  }
0x92: {  	s4 =	sld [smem:$0x3FD0];
	(tm) =	ssettm $0x1  }
0x93: {  	s5 =	sld [smem:$0x3FFB];
	_ =	sdelay $0x3  }
0x94: {  	_ =	strace s5  }
0x95: {  	s5 =	sld [smem:$0x3FFC];
	_ =	sdelay $0x3  }
0x96: {  	_ =	strace s5  }
0x97: {  	s5 =	sld [smem:$0x3FFD];
	_ =	sdelay $0x3  }
0x98: {  	_ =	strace s5  }
0x99: {  	_ =	strace $0x8FFFFFFF  }
0x9a: {  	s20 =	sld [smem:$0x3FDB];
	_ =	sdelay $0x1  }
0x9b: {  	s6 =	simm.s32 $_scs_section_size  }
0x9c: {  	s7 =	simm.s32 $_size__tile_overlayer_lowered;
	s8 =	simm.s32 $_tile_overlayer_lowered  }
0x9d: {  	s23 =	simm.s32 $0x1BFF;
	s22 =	sshll.u32 s8, $0x1;
	s5 =	sadd.s32 s6, s20  }
0x9e: {  	s9 =	simm.s32 $0x0;
	s21 =	sshll.u32 s7, $0x1;
	s7 =	sadd.s32 s22, s5  }
0x9f: {  	[timem:s9], [sflag:s23] =	dma.local [hbm:s7], s21  }
0xa0: {  	_ =	swait.ge [sflag:s23], s21  }
0xa1: {  	s6 =	ssub.s32 $0x0, s21;
	[sflag:s23] =	ssyncset.done $0x0  }
0xa2: {  	[sflag:s23] =	ssyncadd.s32 s6;
	_ =	sdelay $0x1  }
0xa3: {  	s24 =	simm.s32 $0x1B8B  }
0xa4: {  	_ =	swait.ge [sflag:s24], $0x1  }
0xa5: {  	[sflag:s24] =	ssyncset.done $0x0  }
0xa6: {  	s25 =	simm.s32 $0x1B8E;
	[sflag:s24] =	ssyncadd.s32 $0xFFFFFFFF  }
0xa7: {  	s26 =	simm.s32 $execute0_lowered;
	[smem:$0x3FD2] =	sst s25  }
0xa8: {  	s6 =	sshll.u32 s26, $0x1;
	_ =	strace $0x80000046;
	[dreg:$0x1] =	wrdreg $0xFFFFFFFF  }
0xa9: {  	s28 =	simm.s32 $_size_execute0_lowered;
	s5 =	sadd.s32 s5, s6;
	[dreg:$0x0] =	wrdreg $0x0  }
0xaa: {  	s6 =	sshll.u32 s28, $0x1;
	[dreg:$0x2] =	wrdreg s5  }
0xab: {  	[dreg:$0x3] =	wrdreg s6  }
0xac: {  	[dreg:$0x4] =	wrdreg $0xC0  }
0xad: {  	_ =	task [dreg:s9], $0x5FFFF  }
0xae: {  	[dreg:$0x1] =	wrdreg $0xFFFFFFFF  }
0xaf: {  	[dreg:$0x0] =	wrdreg $0x60  }
0xb0: {  	[dreg:$0x2] =	wrdreg s2  }
0xb1: {  	[dreg:$0x3] =	wrdreg s19  }
0xb2: {  	[dreg:$0x4] =	wrdreg s4  }
0xb3: {  	[dreg:$0x5] =	wrdreg $0x9  }
0xb4: {  	_ =	task.clear_ibuf [dreg:s9], $0x6FFFF;
	_ =	strace $0x90000046  }
0xb5: {  	s29 =	simm.s32 $0x9;
	_ =	strace $0x80000048  }
0xb6: {  	_ =	swait.ge [sflag:s29], $0x1  }
0xb7: {  	[sflag:s29] =	ssyncadd.s32 $0xFFFFFFFF  }
0xb8: {  	_ =	strace $0x90000048  }
0xb9: {  	_ =	sfence  }
0xba: {  	s30 =	sld [smem:$0x0];
	_ =	sdelay $0x2  }
0xbb: {  	s31 =	sshll.u32 s1, $0xD;
	s1 =	sshrl.u32 s1, $0x2  }
0xbc: {  	s3 =	sand.u32 $0x4000, s31;
	s1 =	sadd.s32 s1, s30  }
0xbd: {  	s0 =	sor.u32 s3, s0;
	s1 =	sshll.u32 s1, $0x11  }
0xbe: {  	s0 =	sor.u32 s1, s0  }
0xbf: {  	s0 =	sadd.s32 $0x8F2B, s0  }
0xc0: {  	[sflag:s0] =	ssyncadd.remote.s32 $0x1  }
0xc1: {  	_ =	sfence.sel $0xFFFF  }
0xc2: {  	[dreg:$0x0] =	wrdreg $0xFFFFFFFF;
	(pc) =	sbr.abs _section_cstart, $3  }
0xc3: {  	[dreg:$0x1] =	wrdreg $0xFFFFFFFF  }
0xc4: {  	_ =	task.clear_ibuf [dreg:s9], $0x2FFFF;
	_ =	strace $0x9FFFFFFF  }
0xc5: {  	(tm) =	ssettm $0x7FFFFFFF  }
tec
execute0_lowered:
.L_overlay_start_1:
0x0: {  	(tag) =	ssettag $0x1  }
0x1: {  	s0 =	rddreg [dreg:$0x0]  }
0x2: {  	s1 =	srdreg.scid;
	s12 =	rddreg [dreg:$0x1]  }
0x3: {  	s13 =	rddreg [dreg:$0x2];
	s2 =	stileid.u32  }
0x4: {  	s17 =	simm.s32 $0x80;
	s18 =	simm.s32 $0x2;
	s19 =	simm.s32 $0x2900  }
0x5: {  	s20 =	simm.s32 $0x3;
	s21 =	simm.s32 $0x5;
	s15 =	smul.u32 $0x7D0, s2  }
0x6: {  	s22 =	simm.s32 $0x4;
	s11 =	sand.u32 $0x1, s1;
	s16 =	smul.u32 $0x7D00, s2  }
0x7: {  	s23 =	simm.s32 $0x6;
	s3 =	sshll.u32 s11, $0x4;
	s14 =	smul.u32 $0x7D00, s11  }
0x8: {  	s5 =	ssub.s32 $0x2, s11;
	s11 =	smul.u32 $0x7D000, s11;
	s4 =	sor.u32 s2, s3  }
0x9: {  	s24 =	simm.s32 $0x0;
	s1 =	rddreg [dreg:$0x3];
	s6 =	smul.u32 $0x7D0, s4  }
0xa: {  	s3 =	simm.s32 $0x0;
	s7 =	sshrl.u32 s5, $0x1;
	s8 =	smul.u32 $0x3E800, s4  }
0xb: {  	[smem:$0x7FF] =	sst s3;
	s7 =	ssub.s32 s5, s7;
	s9 =	smul.u32 $0x7D00, s4  }
0xc: {  	s14 =	sadd.s32 s15, s14;
	_ =	strace $0x80000047;
	s7 =	smax.u32 s7, $0x1  }
0xd: {  	s15 =	sadd.s32 $0xF0, s14;
	s14 =	sadd.s32 $0x140, s14;
	s30 =	sshrl.u32 s6, $0x3  }
0xe: {  	s31 =	sshrl.u32 s8, $0x3;
	s9 =	sadd.s32 s13, s9;
	s15 =	sshrl.u32 s15, $0x3  }
0xf: {  	s14 =	sshrl.u32 s14, $0x3;
	s4 =	sadd.s32 s12, s30;
	s6 =	sadd.s32 s13, s31  }
0x10: {  	s13 =	sadd.s32 s11, s13;
	s11 =	sadd.s32 s15, s12;
	s12 =	sadd.s32 s14, s12  }
0x11: {  	s14 =	simm.s32 $0x1;
	s15 =	simm.s32 $0x50;
	s5 =	sadd.s32 $0x7300, s6  }
0x12: {  	s6 =	sadd.s32 $0x7800, s6;
	s8 =	sadd.s32 $0xA, s4;
	s13 =	sadd.s32 s16, s13  }
0x13: {  	s10 =	sadd.s32 $0x14, s4;
	s16 =	simm.s32 $0x100;
	s13 =	sadd.s32 $0x500, s13  }
.LBB2_1:
0x14: {  	[tilespmem:s3], [sflag:$0x1] =	stream.linear.gather [hbm4b:s4+s3], $0x50, $0x38;
	[tilespmem:$0x5100] =	vst v63  }
0x15: {  	_ =	swait.ge [sflag:s14], $0x50  }
0x16: {  	[sflag:s14] =	ssyncset.done $0x0  }
0x17: {  	[sflag:s14] =	ssyncadd.s32 $0xFFFFFFB0  }
0x18: {  	[tilespmem:s16], [sflag:$0x3] =	stream.indirect.gather [hbm4b:s0+s15], $0x80, s3, s15, $0xb8;
	[tilespmem:$0x5100] =	vst v63  }
0x19: {  	_ = 	snop  }
0x1a: {  	[tilespmem:s17], [sflag:$0x2] =	stream.linear.gather [hbm4b:s8+s3], $0x50, $0x38;
	[tilespmem:$0x5100] =	vst v63  }
0x1b: {  	_ =	swait.ge [sflag:s18], $0x50  }
0x1c: {  	[sflag:s18] =	ssyncset.done $0x0  }
0x1d: {  	[sflag:s18] =	ssyncadd.s32 $0xFFFFFFB0  }
0x1e: {  	[tilespmem:s19], [sflag:$0x4] =	stream.indirect.gather [hbm4b:s0+s15], $0x80, s17, s15, $0xb8;
	[tilespmem:$0x5100] =	vst v63  }
0x1f: {  	_ =	swait.ge [sflag:s20], $0x2800  }
0x20: {  	[sflag:s20] =	ssyncset.done $0x0  }
0x21: {  	[sflag:s20] =	ssyncadd.s32 $0xFFFFD800  }
0x22: {  	[hbm4b:s9+s3] =	stream.linear.scatter [tilespmem:s16], [sflag:$0x5], $0x2800, $0x38;
	[tilespmem:$0x5100] =	vst v63  }
0x23: {  	_ = 	snop  }
0x24: {  	[tilespmem:s3], [sflag:$0x1] =	stream.linear.gather [hbm4b:s10+s3], $0x50, $0x38;
	[tilespmem:$0x5100] =	vst v63  }
0x25: {  	_ =	swait.ge [sflag:s14], $0x50  }
0x26: {  	[sflag:s14] =	ssyncset.done $0x0  }
0x27: {  	[sflag:s14] =	ssyncadd.s32 $0xFFFFFFB0  }
0x28: {  	_ =	swait.ge [sflag:s21], $0x2800  }
0x29: {  	[sflag:s21] =	ssyncset.done $0x0  }
0x2a: {  	[sflag:s21] =	ssyncadd.s32 $0xFFFFD800  }
0x2b: {  	[tilespmem:s16], [sflag:$0x3] =	stream.indirect.gather [hbm4b:s0+s15], $0x80, s3, s15, $0xb8;
	[tilespmem:$0x5100] =	vst v63  }
0x2c: {  	_ =	swait.ge [sflag:s22], $0x2800  }
0x2d: {  	[sflag:s22] =	ssyncset.done $0x0  }
0x2e: {  	[sflag:s22] =	ssyncadd.s32 $0xFFFFD800  }
0x2f: {  	[hbm4b:s13+s3] =	stream.linear.scatter [tilespmem:s19], [sflag:$0x6], $0x2800, $0x38;
	[tilespmem:$0x5100] =	vst v63  }
0x30: {  	s25 =	sadd.s32 $0x0, s11  }
0x31: {  	[tilespmem:s17], [sflag:$0x2] =	stream.linear.gather [hbm4b:s25+s3], $0x50, $0x38;
	[tilespmem:$0x5100] =	vst v63  }
0x32: {  	_ =	swait.ge [sflag:s18], $0x50  }
0x33: {  	[sflag:s18] =	ssyncset.done $0x0  }
0x34: {  	[sflag:s18] =	ssyncadd.s32 $0xFFFFFFB0  }
0x35: {  	_ =	swait.ge [sflag:s23], $0x2800  }
0x36: {  	[sflag:s23] =	ssyncset.done $0x0  }
0x37: {  	[sflag:s23] =	ssyncadd.s32 $0xFFFFD800  }
0x38: {  	[tilespmem:s19], [sflag:$0x4] =	stream.indirect.gather [hbm4b:s0+s15], $0x80, s17, s15, $0xb8;
	[tilespmem:$0x5100] =	vst v63  }
0x39: {  	_ =	swait.ge [sflag:s20], $0x2800  }
0x3a: {  	s31 =	sadd.s32 $0x500, s13;
	s28 =	sadd.s32 $0x0, s12;
	[sflag:s20] =	ssyncset.done $0x0  }
0x3b: {  	s26 =	sadd.s32 $0xA00, s13;
	s25 =	simm.s32 $0x14;
	[sflag:s20] =	ssyncadd.s32 $0xFFFFD800  }
0x3c: {  	[hbm4b:s31+s3] =	stream.linear.scatter [tilespmem:s16], [sflag:$0x5], $0x2800, $0x38;
	[tilespmem:$0x5100] =	vst v63  }
.LBB2_2:
0x3d: {  	[tilespmem:s3], [sflag:$0x1] =	stream.linear.gather [hbm4b:s28+s3], $0x50, $0x38;
	[tilespmem:$0x5100] =	vst v63  }
0x3e: {  	s28 =	smov.u32 s25  }
0x3f: {  	p0 =	sne.s32 s25, $0xC8;
	s25 =	sadd.s32 $0x14, s25;
	_ =	swait.ge [sflag:s14], $0x50  }
0x40: {  	[sflag:s14] =	ssyncset.done $0x0  }
0x41: {  	[sflag:s14] =	ssyncadd.s32 $0xFFFFFFB0  }
0x42: {  	_ =	swait.ge [sflag:s21], $0x2800  }
0x43: {  	[sflag:s21] =	ssyncset.done $0x0  }
0x44: {  	[sflag:s21] =	ssyncadd.s32 $0xFFFFD800  }
0x45: {  	[tilespmem:s16], [sflag:$0x3] =	stream.indirect.gather [hbm4b:s0+s15], $0x80, s3, s15, $0xb8;
	[tilespmem:$0x5100] =	vst v63  }
0x46: {  	_ =	swait.ge [sflag:s22], $0x2800  }
0x47: {  	[sflag:s22] =	ssyncset.done $0x0  }
0x48: {  	[sflag:s22] =	ssyncadd.s32 $0xFFFFD800  }
0x49: {  	[hbm4b:s26+s3] =	stream.linear.scatter [tilespmem:s19], [sflag:$0x6], $0x2800, $0x38;
	[tilespmem:$0x5100] =	vst v63  }
0x4a: {  	s29 =	sadd.s32 s28, s11  }
0x4b: {  	[tilespmem:s17], [sflag:$0x2] =	stream.linear.gather [hbm4b:s29+s3], $0x50, $0x38;
	[tilespmem:$0x5100] =	vst v63  }
0x4c: {  	_ =	swait.ge [sflag:s18], $0x50  }
0x4d: {  	[sflag:s18] =	ssyncset.done $0x0  }
0x4e: {  	[sflag:s18] =	ssyncadd.s32 $0xFFFFFFB0  }
0x4f: {  	_ =	swait.ge [sflag:s23], $0x2800  }
0x50: {  	[sflag:s23] =	ssyncset.done $0x0  }
0x51: {  	[sflag:s23] =	ssyncadd.s32 $0xFFFFD800  }
0x52: {  	[tilespmem:s19], [sflag:$0x4] =	stream.indirect.gather [hbm4b:s0+s15], $0x80, s17, s15, $0xb8;
	[tilespmem:$0x5100] =	vst v63  }
.Ltmp0:
0x53: {  	_ =	swait.ge [sflag:s20], $0x2800;
	(pc) =	sbr.rel @p0 .LBB2_2-.Ltmp0, $4  }
0x54: {  	[sflag:s20] =	ssyncset.done $0x0  }
0x55: {  	s29 =	sadd.s32 $0x500, s26;
	[sflag:s20] =	ssyncadd.s32 $0xFFFFD800  }
0x56: {  	[hbm4b:s29+s3] =	stream.linear.scatter [tilespmem:s16], [sflag:$0x5], $0x2800, $0x38;
	[tilespmem:$0x5100] =	vst v63  }
0x57: {  	s28 =	sadd.s32 s28, s12;
	s26 =	sadd.s32 $0xA00, s26  }
0x58: {  	[tilespmem:s3], [sflag:$0x1] =	stream.linear.gather [hbm4b:s28+s3], $0x50, $0x38;
	[tilespmem:$0x5100] =	vst v63  }
0x59: {  	_ =	swait.ge [sflag:s14], $0x50  }
0x5a: {  	[sflag:s14] =	ssyncset.done $0x0  }
0x5b: {  	[sflag:s14] =	ssyncadd.s32 $0xFFFFFFB0  }
0x5c: {  	_ =	swait.ge [sflag:s21], $0x2800  }
0x5d: {  	[sflag:s21] =	ssyncset.done $0x0  }
0x5e: {  	[sflag:s21] =	ssyncadd.s32 $0xFFFFD800  }
0x5f: {  	[tilespmem:s16], [sflag:$0x3] =	stream.indirect.gather [hbm4b:s0+s15], $0x80, s3, s15, $0xb8;
	[tilespmem:$0x5100] =	vst v63  }
0x60: {  	_ =	swait.ge [sflag:s22], $0x2800  }
0x61: {  	[sflag:s22] =	ssyncset.done $0x0  }
0x62: {  	[sflag:s22] =	ssyncadd.s32 $0xFFFFD800  }
0x63: {  	[hbm4b:s5+s3] =	stream.linear.scatter [tilespmem:s19], [sflag:$0x6], $0x2800, $0x38;
	[tilespmem:$0x5100] =	vst v63  }
0x64: {  	_ =	swait.ge [sflag:s20], $0x2800  }
0x65: {  	[sflag:s20] =	ssyncset.done $0x0  }
0x66: {  	s24 =	sadd.s32 $0x1, s24;
	[sflag:s20] =	ssyncadd.s32 $0xFFFFD800  }
0x67: {  	[hbm4b:s6+s3] =	stream.linear.scatter [tilespmem:s16], [sflag:$0x5], $0x2800, $0x38;
	[tilespmem:$0x5100] =	vst v63  }
0x68: {  	p0 =	sne.s32 s24, s7;
	_ =	swait.ge [sflag:s23], $0x2800  }
.Ltmp1:
0x69: {  	[sflag:s23] =	ssyncset.done $0x0;
	(pc) =	sbr.rel @p0 .LBB2_1-.Ltmp1, $4  }
0x6a: {  	[sflag:s23] =	ssyncadd.s32 $0xFFFFD800  }
0x6b: {  	_ =	swait.ge [sflag:s21], $0x2800  }
0x6c: {  	[sflag:s21] =	ssyncset.done $0x0  }
0x6d: {  	[sflag:s21] =	ssyncadd.s32 $0xFFFFD800  }
0x6e: {  	_ =	sfence.sel $0x180000  }
0x6f: {  	[bflag:$0x0] =	sbarrier.arrive $0xFFFF  }
0x70: {  	p0 =	sne.s32 s2, $0x0;
	_ =	strace $0x90000047  }
0x71: {  	s0 =	sadd.s32 @!p0 $0x100000, s1;
	[bflag:$0x2] =	sbarrier.arrive $0xFFFF  }
0x72: {  	[sflag:s0] =	ssyncadd.tile.s32 @!p0 $0x1;
	_ =	shalt  }
.Lfunc_end2:
_tile_overlayer_lowered:
.L_overlay_start_2:
0x73: {  	(tag) =	ssettag $0x2  }
0x74: {  	s0 =	rddreg [dreg:$0x0];
	s2 =	stileid.u32  }
0x75: {  	s1 =	rddreg [dreg:$0x1];
	p0 =	sne.s32 s2, $0x0  }
0x76: {  	s3 =	rddreg [dreg:$0x2];
	[bflag:$0x3] =	sbarrier.arrive $0xFFFF;
	s2 =	simm.s32 @!p0 $0x1C07  }
0x77: {  	[timem:s3], [sflag:s2] =	dma.local @!p0 [hbm:s0], s1  }
0x78: {  	s0 =	simm.s32 @!p0 $0x7  }
0x79: {  	_ =	swait.ge @!p0 [sflag:s0], s1  }
0x7a: {  	s1 =	ssub.s32 @!p0 $0x0, s1;
	[sflag:s0] =	ssyncset.done @!p0 $0x0  }
0x7b: {  	[sflag:s0] =	ssyncadd.s32 @!p0 s1  }
0x7c: {  	[bflag:$0x3] =	sbarrier.arrive $0xFFFF  }
0x7d: {  	_ =	shalt  }

</sc_bundles>
